<compile_context>
chip_gen: v7x
topology: tpu7x:2x2x1
jax: 0.10.2.dev20260603
libtpu: 0.0.44.dev20260713+nightly
codegen_flags: <defaults>
</compile_context>

<pallas_src>
import jax
import jax.numpy as jnp
from jax.experimental import pallas as pl
from jax.experimental.pallas import tpu as pltpu

N = 5000
NP = 5120
BI = 1024
BJ = 2048
SCORE_THR = 0.3
THIRD = 1.0 / 3.0


def _nms_body(k_ref, aT_ref, a8_ref, out_ref, fR_ref, fC_ref):
    i = pl.program_id(0)
    i0 = i * BI
    kk = k_ref[0]

    @pl.when(i == 0)
    def _features():
        cx = aT_ref[0:1, :]
        cy = aT_ref[1:2, :]
        w = aT_ref[3:4, :]
        l = aT_ref[4:5, :]
        ry = aT_ref[6:7, :]
        sc = aT_ref[7:8, :]
        c = jnp.abs(jnp.cos(ry))
        s = jnp.abs(jnp.sin(ry))
        hx = 0.5 * (w * c + l * s)
        hy = 0.5 * (w * s + l * c)
        x1 = cx - hx
        y1 = cy - hy
        x2 = cx + hx
        y2 = cy + hy
        a3 = ((x2 - x1) * (y2 - y1)) * THIRD
        rows = jnp.concatenate([x1, y1, x2, y2, a3, sc, sc, sc], axis=0)
        fR_ref[...] = rows
        fC_ref[...] = rows.T

    fc = fC_ref[pl.ds(i0, BI), :]
    ix1 = fc[:, 0:1]
    iy1 = fc[:, 1:2]
    ix2 = fc[:, 2:3]
    iy2 = fc[:, 3:4]
    ia3 = fc[:, 4:5]
    isc = fc[:, 5:6]

    @pl.when(i0 < kk)
    def _compute():
        irank = i0 + jax.lax.broadcasted_iota(jnp.int32, (BI, 1), 0)
        jlim = jnp.minimum(irank, kk)
        jiota = jax.lax.broadcasted_iota(jnp.int32, (1, BJ), 1)

        def tile(j0, masked, acc):
            jx1 = fR_ref[0:1, pl.ds(j0, BJ)]
            jy1 = fR_ref[1:2, pl.ds(j0, BJ)]
            jx2 = fR_ref[2:3, pl.ds(j0, BJ)]
            jy2 = fR_ref[3:4, pl.ds(j0, BJ)]
            ja3 = fR_ref[4:5, pl.ds(j0, BJ)]

            iw = jnp.maximum(jnp.minimum(ix2, jx2) - jnp.maximum(ix1, jx1),
                             0.0)
            ih = jnp.minimum(iy2, jy2) - jnp.maximum(iy1, jy1)
            marg = iw * ih - (ia3 + ja3)
            if masked:
                marg = jnp.where((j0 + jiota) < jlim, marg, -1.0)
            return jnp.maximum(acc, jnp.max(marg, axis=1, keepdims=True))

        nfull = jnp.minimum(i0, kk) // BJ
        acc0 = jnp.full((BI, 1), -1.0, dtype=jnp.float32)
        acc = jax.lax.fori_loop(
            0, nfull, lambda jj, a: tile(jj * BJ, False, a), acc0)
        nall = (jnp.minimum(i0 + BI, kk) + (BJ - 1)) // BJ
        acc = jax.lax.fori_loop(
            nfull, nall, lambda jj, a: tile(jj * BJ, True, a), acc)

        keepf = jnp.where((isc > SCORE_THR) & (acc <= 0.0), 1.0, 0.0)
        out_ref[...] = a8_ref[...] * keepf

    @pl.when(i0 >= kk)
    def _zeros():
        out_ref[...] = jnp.zeros((BI, 8), dtype=jnp.float32)


@jax.jit
def kernel(x, guided_anchors):
    pad = NP - N
    s = jax.nn.sigmoid(x)
    order = jnp.argsort(-s, stable=True)
    kcount = jnp.sum(s > SCORE_THR).astype(jnp.int32).reshape(1)

    a8 = jnp.concatenate([guided_anchors, s[:, None]], axis=1)[order]
    a8 = jnp.pad(a8, ((0, pad), (0, 0)))
    aT = a8.T

    out_sorted = pl.pallas_call(
        _nms_body,
        grid=(NP // BI,),
        in_specs=[
            pl.BlockSpec(memory_space=pltpu.SMEM),
            pl.BlockSpec((8, NP), lambda i: (0, 0)),
            pl.BlockSpec((BI, 8), lambda i: (i, 0)),
        ],
        out_specs=pl.BlockSpec((BI, 8), lambda i: (i, 0)),
        out_shape=jax.ShapeDtypeStruct((NP, 8), jnp.float32),
        scratch_shapes=[
            pltpu.VMEM((8, NP), jnp.float32),
            pltpu.VMEM((NP, 8), jnp.float32),
        ],
    )(kcount, aT, a8)

    return jnp.zeros((N, 8), jnp.float32).at[order].set(out_sorted[:N])

# --- scband reference (transcript-rebuilt; emitter-appended) ---
"""Pipeline reference for scband-alignment-head-82317343195893 (READ-ONLY COPY).

The authoritative reference and input builder live on the scoring server;
editing this copy changes nothing except your own understanding.
"""

import jax, jax.numpy as jnp
import numpy as np

N = 5000
SCORE_THR = 0.3
IOU_THR = 0.5


def setup_inputs(seed: int = 0) -> dict:
    key = jax.random.key(seed)
    k1, k2 = jax.random.split(key)
    x = jax.random.normal(k1, (N,), dtype=jnp.float32)
    u = jax.random.uniform(k2, (N, 7), dtype=jnp.float32)
    centers = u[:, :3] * 100.0
    sizes = u[:, 3:6] * 4.0 + 1.0
    angles = u[:, 6:7] * (2.0 * np.pi)
    guided_anchors = jnp.concatenate([centers, sizes, angles], axis=1)
    return {"x": x, "guided_anchors": guided_anchors}


def _bev_aabb(boxes):
    # boxes3d_to_bev: project (x, y, w, l, ry) to BEV; use rotation-enclosing AABB
    cx = boxes[:, 0]
    cy = boxes[:, 1]
    w = boxes[:, 3]
    l = boxes[:, 4]
    ry = boxes[:, 6]
    c = jnp.abs(jnp.cos(ry))
    s = jnp.abs(jnp.sin(ry))
    half_x = 0.5 * (w * c + l * s)
    half_y = 0.5 * (w * s + l * c)
    return cx - half_x, cy - half_y, cx + half_x, cy + half_y


def _iou_matrix(x1, y1, x2, y2):
    iw = jnp.clip(jnp.minimum(x2[:, None], x2[None, :]) - jnp.maximum(x1[:, None], x1[None, :]), 0.0)
    ih = jnp.clip(jnp.minimum(y2[:, None], y2[None, :]) - jnp.maximum(y1[:, None], y1[None, :]), 0.0)
    inter = iw * ih
    area = (x2 - x1) * (y2 - y1)
    union = area[:, None] + area[None, :] - inter
    return inter / jnp.maximum(union, 1e-8)


def reference(x, guided_anchors):
    # AlignmentHead.get_rescore_bboxes pipeline (single image, fixed-shape masked form):
    # sigmoid -> score threshold -> BEV NMS -> kept boxes + scores
    scores = jax.nn.sigmoid(x.reshape(-1))
    boxes = guided_anchors.reshape(-1, 7)
    valid = scores > SCORE_THR
    x1, y1, x2, y2 = _bev_aabb(boxes)
    iou = _iou_matrix(x1, y1, x2, y2)
    idx = jnp.arange(scores.shape[0])
    # box j suppresses box i if j scores higher (index tie-break) and overlaps above threshold
    higher = (scores[None, :] > scores[:, None]) | (
        (scores[None, :] == scores[:, None]) & (idx[None, :] < idx[:, None])
    )
    suppressed = jnp.any(higher & (iou > IOU_THR) & valid[None, :] & valid[:, None], axis=1)
    keep = valid & (~suppressed)
    keepf = keep.astype(scores.dtype)
    boxes_out = boxes * keepf[:, None]
    scores_out = scores * keepf
    return jnp.concatenate([boxes_out, scores_out[:, None]], axis=1)

if __name__ == "__main__":
    import jax
    _d = setup_inputs()
    print(jax.jit(kernel)(*tuple(_d.values())))

</pallas_src>

<mosaic_0001>
module attributes {stable_mosaic.version = 14 : i64} {
  func.func @_nms_body(%arg0: i32, %arg1: memref<1xi32, #tpu.memory_space<smem>>, %arg2: memref<8x5120xf32, #tpu.memory_space<vmem>>, %arg3: memref<1024x8xf32, #tpu.memory_space<vmem>>, %arg4: memref<1024x8xf32, #tpu.memory_space<vmem>>, %arg5: memref<8x5120xf32, #tpu.memory_space<vmem>>, %arg6: memref<5120x8xf32, #tpu.memory_space<vmem>>) attributes {dimension_semantics = [#tpu.dimension_semantics<arbitrary>], iteration_bounds = array<i64: 5>, scalar_prefetch = 0 : i64, scratch_operands = 2 : i64, tpu.core_type = #tpu.core_type<tc>, window_params = [{transform_indices = @transform_0, window_bounds = array<i64: 1>}, {pipeline_mode = #tpu.pipeline_mode<synchronous>, transform_indices = @transform_1, window_bounds = array<i64: 8, 5120>}, {transform_indices = @transform_2, window_bounds = array<i64: 1024, 8>}, {transform_indices = @transform_3, window_bounds = array<i64: 1024, 8>}]} {
    %mul3A = arith.constant 1024 : i32
    %mul3A_0 = arith.muli %arg0, %mul3A : i32
    %get3A = arith.constant 0 : index
    %get3A_1 = memref.load %arg1[%get3A] : memref<1xi32, #tpu.memory_space<smem>>
    %eq3A = arith.constant 0 : i32
    %eq3A_2 = arith.cmpi eq, %arg0, %eq3A : i32
    %convert_element_type3A = arith.extui %eq3A_2 : i1 to i32
    %cond3A = arith.constant 0 : i32
    %cond3A_3 = arith.cmpi ne, %convert_element_type3A, %cond3A : i32
    scf.if %cond3A_3 {
      %get3A_18 = arith.constant 0 : index
      %get3A_19 = arith.constant 0 : index
      %get3A_20 = vector.load %arg2[%get3A_18, %get3A_19] : memref<8x5120xf32, #tpu.memory_space<vmem>>, vector<1x5120xf32>
      %get3A_21 = arith.constant 1 : index
      %get3A_22 = arith.constant 0 : index
      %get3A_23 = vector.load %arg2[%get3A_21, %get3A_22] : memref<8x5120xf32, #tpu.memory_space<vmem>>, vector<1x5120xf32>
      %get3A_24 = arith.constant 3 : index
      %get3A_25 = arith.constant 0 : index
      %get3A_26 = vector.load %arg2[%get3A_24, %get3A_25] : memref<8x5120xf32, #tpu.memory_space<vmem>>, vector<1x5120xf32>
      %get3A_27 = arith.constant 4 : index
      %get3A_28 = arith.constant 0 : index
      %get3A_29 = vector.load %arg2[%get3A_27, %get3A_28] : memref<8x5120xf32, #tpu.memory_space<vmem>>, vector<1x5120xf32>
      %get3A_30 = arith.constant 6 : index
      %get3A_31 = arith.constant 0 : index
      %get3A_32 = vector.load %arg2[%get3A_30, %get3A_31] : memref<8x5120xf32, #tpu.memory_space<vmem>>, vector<1x5120xf32>
      %get3A_33 = arith.constant 7 : index
      %get3A_34 = arith.constant 0 : index
      %get3A_35 = vector.load %arg2[%get3A_33, %get3A_34] : memref<8x5120xf32, #tpu.memory_space<vmem>>, vector<1x5120xf32>
      %cos3A = math.cos %get3A_32 : vector<1x5120xf32>
      %abs3A = math.absf %cos3A : vector<1x5120xf32>
      %sin3A = math.sin %get3A_32 : vector<1x5120xf32>
      %abs3A_36 = math.absf %sin3A : vector<1x5120xf32>
      %mul3A_37 = arith.mulf %get3A_26, %abs3A : vector<1x5120xf32>
      %mul3A_38 = arith.mulf %get3A_29, %abs3A_36 : vector<1x5120xf32>
      %add3A = arith.addf %mul3A_37, %mul3A_38 : vector<1x5120xf32>
      %mul3A_39 = arith.constant 5.000000e-01 : f32
      %mul3A_40 = vector.broadcast %mul3A_39 : f32 to vector<1x5120xf32>
      %mul3A_41 = arith.mulf %mul3A_40, %add3A : vector<1x5120xf32>
      %mul3A_42 = arith.mulf %get3A_26, %abs3A_36 : vector<1x5120xf32>
      %mul3A_43 = arith.mulf %get3A_29, %abs3A : vector<1x5120xf32>
      %add3A_44 = arith.addf %mul3A_42, %mul3A_43 : vector<1x5120xf32>
      %mul3A_45 = arith.constant 5.000000e-01 : f32
      %mul3A_46 = vector.broadcast %mul3A_45 : f32 to vector<1x5120xf32>
      %mul3A_47 = arith.mulf %mul3A_46, %add3A_44 : vector<1x5120xf32>
      %sub3A = arith.subf %get3A_20, %mul3A_41 : vector<1x5120xf32>
      %sub3A_48 = arith.subf %get3A_23, %mul3A_47 : vector<1x5120xf32>
      %add3A_49 = arith.addf %get3A_20, %mul3A_41 : vector<1x5120xf32>
      %add3A_50 = arith.addf %get3A_23, %mul3A_47 : vector<1x5120xf32>
      %sub3A_51 = arith.subf %add3A_49, %sub3A : vector<1x5120xf32>
      %sub3A_52 = arith.subf %add3A_50, %sub3A_48 : vector<1x5120xf32>
      %mul3A_53 = arith.mulf %sub3A_51, %sub3A_52 : vector<1x5120xf32>
      %mul3A_54 = arith.constant 0.333333343 : f32
      %mul3A_55 = vector.broadcast %mul3A_54 : f32 to vector<1x5120xf32>
      %mul3A_56 = arith.mulf %mul3A_53, %mul3A_55 : vector<1x5120xf32>
      %concatenate3A = tpu.concatenate %sub3A, %sub3A_48, %add3A_49, %add3A_50, %mul3A_56, %get3A_35, %get3A_35, %get3A_35 in 0 : vector<1x5120xf32>, vector<1x5120xf32>, vector<1x5120xf32>, vector<1x5120xf32>, vector<1x5120xf32>, vector<1x5120xf32>, vector<1x5120xf32>, vector<1x5120xf32> -> vector<8x5120xf32>
      %swap3A = arith.constant 0 : index
      %swap3A_57 = arith.constant 0 : index
      %swap3A_58 = vector.load %arg5[%swap3A, %swap3A_57] : memref<8x5120xf32, #tpu.memory_space<vmem>>, vector<8x5120xf32>
      tpu.vector_store %arg5[%swap3A, %swap3A_57], %concatenate3A {strides = array<i32>} : memref<8x5120xf32, #tpu.memory_space<vmem>>, vector<8x5120xf32>,
      %transpose3A = tpu.transpose %concatenate3A, [1, 0] : vector<8x5120xf32> -> vector<5120x8xf32>
      %swap3A_59 = arith.constant 0 : index
      %swap3A_60 = arith.constant 0 : index
      %swap3A_61 = vector.load %arg6[%swap3A_59, %swap3A_60] : memref<5120x8xf32, #tpu.memory_space<vmem>>, vector<5120x8xf32>
      tpu.vector_store %arg6[%swap3A_59, %swap3A_60], %transpose3A {strides = array<i32>} : memref<5120x8xf32, #tpu.memory_space<vmem>>, vector<5120x8xf32>,
    } else {
    }
    %get3A_4 = arith.index_cast %mul3A_0 : i32 to index
    %get3A_5 = arith.constant 0 : index
    %get3A_6 = vector.load %arg6[%get3A_4, %get3A_5] : memref<5120x8xf32, #tpu.memory_space<vmem>>, vector<1024x8xf32>
    %slice3A = vector.extract_strided_slice %get3A_6 {offsets = [0, 0], sizes = [1024, 1], strides = [1, 1]} : vector<1024x8xf32> to vector<1024x1xf32>
    %slice3A_7 = vector.extract_strided_slice %get3A_6 {offsets = [0, 1], sizes = [1024, 1], strides = [1, 1]} : vector<1024x8xf32> to vector<1024x1xf32>
    %slice3A_8 = vector.extract_strided_slice %get3A_6 {offsets = [0, 2], sizes = [1024, 1], strides = [1, 1]} : vector<1024x8xf32> to vector<1024x1xf32>
    %slice3A_9 = vector.extract_strided_slice %get3A_6 {offsets = [0, 3], sizes = [1024, 1], strides = [1, 1]} : vector<1024x8xf32> to vector<1024x1xf32>
    %slice3A_10 = vector.extract_strided_slice %get3A_6 {offsets = [0, 4], sizes = [1024, 1], strides = [1, 1]} : vector<1024x8xf32> to vector<1024x1xf32>
    %slice3A_11 = vector.extract_strided_slice %get3A_6 {offsets = [0, 5], sizes = [1024, 1], strides = [1, 1]} : vector<1024x8xf32> to vector<1024x1xf32>
    %lt3A = arith.cmpi slt, %mul3A_0, %get3A_1 : i32
    %convert_element_type3A_12 = arith.extui %lt3A : i1 to i32
    %cond3A_13 = arith.constant 0 : i32
    %cond3A_14 = arith.cmpi ne, %convert_element_type3A_12, %cond3A_13 : i32
    scf.if %cond3A_14 {
      %iota3A = tpu.iota {dimensions = array<i32: 0>} : vector<1024x1xi32>
      %add3A = vector.broadcast %mul3A_0 : i32 to vector<1024x1xi32>
      %add3A_18 = arith.addi %add3A, %iota3A : vector<1024x1xi32>
      %min3A = vector.broadcast %get3A_1 : i32 to vector<1024x1xi32>
      %min3A_19 = arith.minsi %add3A_18, %min3A : vector<1024x1xi32>
      %iota3A_20 = tpu.iota {dimensions = array<i32: 1>} : vector<1x2048xi32>
      %min3A_21 = arith.minsi %mul3A_0, %get3A_1 : i32
      %jit3A = arith.constant 2048 : i32
      %div3A = arith.divsi %min3A_21, %jit3A : i32
      %sign3A = arith.constant 0 : i32
      %sign3A_22 = arith.cmpi sgt, %min3A_21, %sign3A : i32
      %sign3A_23 = arith.extui %sign3A_22 : i1 to i32
      %sign3A_24 = arith.constant 0 : i32
      %sign3A_25 = arith.cmpi slt, %min3A_21, %sign3A_24 : i32
      %sign3A_26 = arith.extui %sign3A_25 : i1 to i32
      %sign3A_27 = arith.subi %sign3A_23, %sign3A_26 : i32
      %sign3A_28 = arith.constant 0 : i32
      %sign3A_29 = arith.cmpi sgt, %jit3A, %sign3A_28 : i32
      %sign3A_30 = arith.extui %sign3A_29 : i1 to i32
      %sign3A_31 = arith.constant 0 : i32
      %sign3A_32 = arith.cmpi slt, %jit3A, %sign3A_31 : i32
      %sign3A_33 = arith.extui %sign3A_32 : i1 to i32
      %sign3A_34 = arith.subi %sign3A_30, %sign3A_33 : i32
      %ne3A = arith.cmpi ne, %sign3A_27, %sign3A_34 : i32
      %rem3A = arith.remsi %min3A_21, %jit3A : i32
      %ne3A_35 = arith.constant 0 : i32
      %ne3A_36 = arith.cmpi ne, %rem3A, %ne3A_35 : i32
      %and3A = arith.andi %ne3A, %ne3A_36 : i1
      %sub3A = arith.constant 1 : i32
      %sub3A_37 = arith.subi %div3A, %sub3A : i32
      %select_n3A = arith.select %and3A, %sub3A_37, %div3A : i32
      %broadcast_in_dim3A = arith.constant -1.000000e+00 : f32
      %broadcast_in_dim3A_38 = vector.broadcast %broadcast_in_dim3A : f32 to vector<1024x1xf32>
      %while3A = arith.constant 0 : i32
      %while3A_39 = arith.subi %select_n3A, %while3A : i32
      %while3A_40 = arith.addi %while3A, %while3A_39 : i32
      %while3A_41 = arith.constant 1 : i32
      %while3A_42 = arith.divsi %while3A_39, %while3A_41 : i32
      %while3A_43 = arith.muli %while3A_42, %while3A_41 : i32
      %while3A_44 = arith.addi %while3A, %while3A_43 : i32
      %while3A_45 = arith.constant 1 : i32
      %while3A_46 = scf.for %while3A_105 = %while3A to %while3A_44 step %while3A_45 iter_args(%while3A_106 = %broadcast_in_dim3A_38) -> (vector<1024x1xf32>)  : i32 {
        %mul3A_107 = arith.constant 2048 : i32
        %mul3A_108 = arith.muli %while3A_105, %mul3A_107 : i32
        %get3A_109 = arith.constant 0 : index
        %get3A_110 = arith.index_cast %mul3A_108 : i32 to index
        %get3A_111 = vector.load %arg5[%get3A_109, %get3A_110] : memref<8x5120xf32, #tpu.memory_space<vmem>>, vector<1x2048xf32>
        %get3A_112 = arith.constant 1 : index
        %get3A_113 = arith.index_cast %mul3A_108 : i32 to index
        %get3A_114 = vector.load %arg5[%get3A_112, %get3A_113] : memref<8x5120xf32, #tpu.memory_space<vmem>>, vector<1x2048xf32>
        %get3A_115 = arith.constant 2 : index
        %get3A_116 = arith.index_cast %mul3A_108 : i32 to index
        %get3A_117 = vector.load %arg5[%get3A_115, %get3A_116] : memref<8x5120xf32, #tpu.memory_space<vmem>>, vector<1x2048xf32>
        %get3A_118 = arith.constant 3 : index
        %get3A_119 = arith.index_cast %mul3A_108 : i32 to index
        %get3A_120 = vector.load %arg5[%get3A_118, %get3A_119] : memref<8x5120xf32, #tpu.memory_space<vmem>>, vector<1x2048xf32>
        %get3A_121 = arith.constant 4 : index
        %get3A_122 = arith.index_cast %mul3A_108 : i32 to index
        %get3A_123 = vector.load %arg5[%get3A_121, %get3A_122] : memref<8x5120xf32, #tpu.memory_space<vmem>>, vector<1x2048xf32>
        %min3A_124 = vector.broadcast %slice3A_8 : vector<1024x1xf32> to vector<1024x2048xf32>
        %min3A_125 = vector.broadcast %get3A_117 : vector<1x2048xf32> to vector<1024x2048xf32>
        %min3A_126 = arith.minimumf %min3A_124, %min3A_125 : vector<1024x2048xf32>
        %max3A = vector.broadcast %slice3A : vector<1024x1xf32> to vector<1024x2048xf32>
        %max3A_127 = vector.broadcast %get3A_111 : vector<1x2048xf32> to vector<1024x2048xf32>
        %max3A_128 = arith.maximumf %max3A, %max3A_127 : vector<1024x2048xf32>
        %sub3A_129 = arith.subf %min3A_126, %max3A_128 : vector<1024x2048xf32>
        %max3A_130 = arith.constant 0.000000e+00 : f32
        %max3A_131 = vector.broadcast %max3A_130 : f32 to vector<1024x2048xf32>
        %max3A_132 = arith.maximumf %sub3A_129, %max3A_131 : vector<1024x2048xf32>
        %min3A_133 = vector.broadcast %slice3A_9 : vector<1024x1xf32> to vector<1024x2048xf32>
        %min3A_134 = vector.broadcast %get3A_120 : vector<1x2048xf32> to vector<1024x2048xf32>
        %min3A_135 = arith.minimumf %min3A_133, %min3A_134 : vector<1024x2048xf32>
        %max3A_136 = vector.broadcast %slice3A_7 : vector<1024x1xf32> to vector<1024x2048xf32>
        %max3A_137 = vector.broadcast %get3A_114 : vector<1x2048xf32> to vector<1024x2048xf32>
        %max3A_138 = arith.maximumf %max3A_136, %max3A_137 : vector<1024x2048xf32>
        %sub3A_139 = arith.subf %min3A_135, %max3A_138 : vector<1024x2048xf32>
        %mul3A_140 = arith.mulf %max3A_132, %sub3A_139 : vector<1024x2048xf32>
        %add3A_141 = vector.broadcast %slice3A_10 : vector<1024x1xf32> to vector<1024x2048xf32>
        %add3A_142 = vector.broadcast %get3A_123 : vector<1x2048xf32> to vector<1024x2048xf32>
        %add3A_143 = arith.addf %add3A_141, %add3A_142 : vector<1024x2048xf32>
        %sub3A_144 = arith.subf %mul3A_140, %add3A_143 : vector<1024x2048xf32>
        %reduce_max3A = arith.constant dense<0xFF800000> : vector<1024xf32>
        %reduce_max3A_145 = vector.multi_reduction <maximumf>, %sub3A_144, %reduce_max3A [1] : vector<1024x2048xf32> to vector<1024xf32>
        %broadcast_in_dim3A_146 = vector.shape_cast %reduce_max3A_145 : vector<1024xf32> to vector<1024x1xf32>
        %max3A_147 = arith.maximumf %while3A_106, %broadcast_in_dim3A_146 : vector<1024x1xf32>
        scf.yield %max3A_147 : vector<1024x1xf32>
      }
      %while3A_47 = arith.constant 1 : i32
      %while3A_48 = scf.for %while3A_105 = %while3A_44 to %while3A_40 step %while3A_47 iter_args(%while3A_106 = %while3A_46) -> (vector<1024x1xf32>)  : i32 {
        %mul3A_107 = arith.constant 2048 : i32
        %mul3A_108 = arith.muli %while3A_105, %mul3A_107 : i32
        %get3A_109 = arith.constant 0 : index
        %get3A_110 = arith.index_cast %mul3A_108 : i32 to index
        %get3A_111 = vector.load %arg5[%get3A_109, %get3A_110] : memref<8x5120xf32, #tpu.memory_space<vmem>>, vector<1x2048xf32>
        %get3A_112 = arith.constant 1 : index
        %get3A_113 = arith.index_cast %mul3A_108 : i32 to index
        %get3A_114 = vector.load %arg5[%get3A_112, %get3A_113] : memref<8x5120xf32, #tpu.memory_space<vmem>>, vector<1x2048xf32>
        %get3A_115 = arith.constant 2 : index
        %get3A_116 = arith.index_cast %mul3A_108 : i32 to index
        %get3A_117 = vector.load %arg5[%get3A_115, %get3A_116] : memref<8x5120xf32, #tpu.memory_space<vmem>>, vector<1x2048xf32>
        %get3A_118 = arith.constant 3 : index
        %get3A_119 = arith.index_cast %mul3A_108 : i32 to index
        %get3A_120 = vector.load %arg5[%get3A_118, %get3A_119] : memref<8x5120xf32, #tpu.memory_space<vmem>>, vector<1x2048xf32>
        %get3A_121 = arith.constant 4 : index
        %get3A_122 = arith.index_cast %mul3A_108 : i32 to index
        %get3A_123 = vector.load %arg5[%get3A_121, %get3A_122] : memref<8x5120xf32, #tpu.memory_space<vmem>>, vector<1x2048xf32>
        %min3A_124 = vector.broadcast %slice3A_8 : vector<1024x1xf32> to vector<1024x2048xf32>
        %min3A_125 = vector.broadcast %get3A_117 : vector<1x2048xf32> to vector<1024x2048xf32>
        %min3A_126 = arith.minimumf %min3A_124, %min3A_125 : vector<1024x2048xf32>
        %max3A = vector.broadcast %slice3A : vector<1024x1xf32> to vector<1024x2048xf32>
        %max3A_127 = vector.broadcast %get3A_111 : vector<1x2048xf32> to vector<1024x2048xf32>
        %max3A_128 = arith.maximumf %max3A, %max3A_127 : vector<1024x2048xf32>
        %sub3A_129 = arith.subf %min3A_126, %max3A_128 : vector<1024x2048xf32>
        %max3A_130 = arith.constant 0.000000e+00 : f32
        %max3A_131 = vector.broadcast %max3A_130 : f32 to vector<1024x2048xf32>
        %max3A_132 = arith.maximumf %sub3A_129, %max3A_131 : vector<1024x2048xf32>
        %min3A_133 = vector.broadcast %slice3A_9 : vector<1024x1xf32> to vector<1024x2048xf32>
        %min3A_134 = vector.broadcast %get3A_120 : vector<1x2048xf32> to vector<1024x2048xf32>
        %min3A_135 = arith.minimumf %min3A_133, %min3A_134 : vector<1024x2048xf32>
        %max3A_136 = vector.broadcast %slice3A_7 : vector<1024x1xf32> to vector<1024x2048xf32>
        %max3A_137 = vector.broadcast %get3A_114 : vector<1x2048xf32> to vector<1024x2048xf32>
        %max3A_138 = arith.maximumf %max3A_136, %max3A_137 : vector<1024x2048xf32>
        %sub3A_139 = arith.subf %min3A_135, %max3A_138 : vector<1024x2048xf32>
        %mul3A_140 = arith.mulf %max3A_132, %sub3A_139 : vector<1024x2048xf32>
        %add3A_141 = vector.broadcast %slice3A_10 : vector<1024x1xf32> to vector<1024x2048xf32>
        %add3A_142 = vector.broadcast %get3A_123 : vector<1x2048xf32> to vector<1024x2048xf32>
        %add3A_143 = arith.addf %add3A_141, %add3A_142 : vector<1024x2048xf32>
        %sub3A_144 = arith.subf %mul3A_140, %add3A_143 : vector<1024x2048xf32>
        %reduce_max3A = arith.constant dense<0xFF800000> : vector<1024xf32>
        %reduce_max3A_145 = vector.multi_reduction <maximumf>, %sub3A_144, %reduce_max3A [1] : vector<1024x2048xf32> to vector<1024xf32>
        %broadcast_in_dim3A_146 = vector.shape_cast %reduce_max3A_145 : vector<1024xf32> to vector<1024x1xf32>
        %max3A_147 = arith.maximumf %while3A_106, %broadcast_in_dim3A_146 : vector<1024x1xf32>
        scf.yield %max3A_147 : vector<1024x1xf32>
      }
      %add3A_49 = arith.constant 1024 : i32
      %add3A_50 = arith.addi %mul3A_0, %add3A_49 : i32
      %min3A_51 = arith.minsi %add3A_50, %get3A_1 : i32
      %add3A_52 = arith.constant 2047 : i32
      %add3A_53 = arith.addi %min3A_51, %add3A_52 : i32
      %jit3A_54 = arith.constant 2048 : i32
      %div3A_55 = arith.divsi %add3A_53, %jit3A_54 : i32
      %sign3A_56 = arith.constant 0 : i32
      %sign3A_57 = arith.cmpi sgt, %add3A_53, %sign3A_56 : i32
      %sign3A_58 = arith.extui %sign3A_57 : i1 to i32
      %sign3A_59 = arith.constant 0 : i32
      %sign3A_60 = arith.cmpi slt, %add3A_53, %sign3A_59 : i32
      %sign3A_61 = arith.extui %sign3A_60 : i1 to i32
      %sign3A_62 = arith.subi %sign3A_58, %sign3A_61 : i32
      %sign3A_63 = arith.constant 0 : i32
      %sign3A_64 = arith.cmpi sgt, %jit3A_54, %sign3A_63 : i32
      %sign3A_65 = arith.extui %sign3A_64 : i1 to i32
      %sign3A_66 = arith.constant 0 : i32
      %sign3A_67 = arith.cmpi slt, %jit3A_54, %sign3A_66 : i32
      %sign3A_68 = arith.extui %sign3A_67 : i1 to i32
      %sign3A_69 = arith.subi %sign3A_65, %sign3A_68 : i32
      %ne3A_70 = arith.cmpi ne, %sign3A_62, %sign3A_69 : i32
      %rem3A_71 = arith.remsi %add3A_53, %jit3A_54 : i32
      %ne3A_72 = arith.constant 0 : i32
      %ne3A_73 = arith.cmpi ne, %rem3A_71, %ne3A_72 : i32
      %and3A_74 = arith.andi %ne3A_70, %ne3A_73 : i1
      %sub3A_75 = arith.constant 1 : i32
      %sub3A_76 = arith.subi %div3A_55, %sub3A_75 : i32
      %select_n3A_77 = arith.select %and3A_74, %sub3A_76, %div3A_55 : i32
      %while3A_78 = arith.subi %select_n3A_77, %select_n3A : i32
      %while3A_79 = arith.addi %select_n3A, %while3A_78 : i32
      %while3A_80 = arith.constant 1 : i32
      %while3A_81 = arith.divsi %while3A_78, %while3A_80 : i32
      %while3A_82 = arith.muli %while3A_81, %while3A_80 : i32
      %while3A_83 = arith.addi %select_n3A, %while3A_82 : i32
      %while3A_84 = arith.constant 1 : i32
      %while3A_85 = scf.for %while3A_105 = %select_n3A to %while3A_83 step %while3A_84 iter_args(%while3A_106 = %while3A_48) -> (vector<1024x1xf32>)  : i32 {
        %mul3A_107 = arith.constant 2048 : i32
        %mul3A_108 = arith.muli %while3A_105, %mul3A_107 : i32
        %get3A_109 = arith.constant 0 : index
        %get3A_110 = arith.index_cast %mul3A_108 : i32 to index
        %get3A_111 = vector.load %arg5[%get3A_109, %get3A_110] : memref<8x5120xf32, #tpu.memory_space<vmem>>, vector<1x2048xf32>
        %get3A_112 = arith.constant 1 : index
        %get3A_113 = arith.index_cast %mul3A_108 : i32 to index
        %get3A_114 = vector.load %arg5[%get3A_112, %get3A_113] : memref<8x5120xf32, #tpu.memory_space<vmem>>, vector<1x2048xf32>
        %get3A_115 = arith.constant 2 : index
        %get3A_116 = arith.index_cast %mul3A_108 : i32 to index
        %get3A_117 = vector.load %arg5[%get3A_115, %get3A_116] : memref<8x5120xf32, #tpu.memory_space<vmem>>, vector<1x2048xf32>
        %get3A_118 = arith.constant 3 : index
        %get3A_119 = arith.index_cast %mul3A_108 : i32 to index
        %get3A_120 = vector.load %arg5[%get3A_118, %get3A_119] : memref<8x5120xf32, #tpu.memory_space<vmem>>, vector<1x2048xf32>
        %get3A_121 = arith.constant 4 : index
        %get3A_122 = arith.index_cast %mul3A_108 : i32 to index
        %get3A_123 = vector.load %arg5[%get3A_121, %get3A_122] : memref<8x5120xf32, #tpu.memory_space<vmem>>, vector<1x2048xf32>
        %min3A_124 = vector.broadcast %slice3A_8 : vector<1024x1xf32> to vector<1024x2048xf32>
        %min3A_125 = vector.broadcast %get3A_117 : vector<1x2048xf32> to vector<1024x2048xf32>
        %min3A_126 = arith.minimumf %min3A_124, %min3A_125 : vector<1024x2048xf32>
        %max3A = vector.broadcast %slice3A : vector<1024x1xf32> to vector<1024x2048xf32>
        %max3A_127 = vector.broadcast %get3A_111 : vector<1x2048xf32> to vector<1024x2048xf32>
        %max3A_128 = arith.maximumf %max3A, %max3A_127 : vector<1024x2048xf32>
        %sub3A_129 = arith.subf %min3A_126, %max3A_128 : vector<1024x2048xf32>
        %max3A_130 = arith.constant 0.000000e+00 : f32
        %max3A_131 = vector.broadcast %max3A_130 : f32 to vector<1024x2048xf32>
        %max3A_132 = arith.maximumf %sub3A_129, %max3A_131 : vector<1024x2048xf32>
        %min3A_133 = vector.broadcast %slice3A_9 : vector<1024x1xf32> to vector<1024x2048xf32>
        %min3A_134 = vector.broadcast %get3A_120 : vector<1x2048xf32> to vector<1024x2048xf32>
        %min3A_135 = arith.minimumf %min3A_133, %min3A_134 : vector<1024x2048xf32>
        %max3A_136 = vector.broadcast %slice3A_7 : vector<1024x1xf32> to vector<1024x2048xf32>
        %max3A_137 = vector.broadcast %get3A_114 : vector<1x2048xf32> to vector<1024x2048xf32>
        %max3A_138 = arith.maximumf %max3A_136, %max3A_137 : vector<1024x2048xf32>
        %sub3A_139 = arith.subf %min3A_135, %max3A_138 : vector<1024x2048xf32>
        %mul3A_140 = arith.mulf %max3A_132, %sub3A_139 : vector<1024x2048xf32>
        %add3A_141 = vector.broadcast %slice3A_10 : vector<1024x1xf32> to vector<1024x2048xf32>
        %add3A_142 = vector.broadcast %get3A_123 : vector<1x2048xf32> to vector<1024x2048xf32>
        %add3A_143 = arith.addf %add3A_141, %add3A_142 : vector<1024x2048xf32>
        %sub3A_144 = arith.subf %mul3A_140, %add3A_143 : vector<1024x2048xf32>
        %add3A_145 = vector.broadcast %mul3A_108 : i32 to vector<1x2048xi32>
        %add3A_146 = arith.addi %add3A_145, %iota3A_20 : vector<1x2048xi32>
        %lt3A_147 = vector.broadcast %add3A_146 : vector<1x2048xi32> to vector<1024x2048xi32>
        %lt3A_148 = vector.broadcast %min3A_19 : vector<1024x1xi32> to vector<1024x2048xi32>
        %lt3A_149 = arith.cmpi slt, %lt3A_147, %lt3A_148 : vector<1024x2048xi32>
        %jit3A_150 = arith.constant -1.000000e+00 : f32
        %broadcast_in_dim3A_151 = vector.broadcast %jit3A_150 : f32 to vector<1024x2048xf32>
        %select_n3A_152 = arith.select %lt3A_149, %sub3A_144, %broadcast_in_dim3A_151 : vector<1024x2048xi1>, vector<1024x2048xf32>
        %reduce_max3A = arith.constant dense<0xFF800000> : vector<1024xf32>
        %reduce_max3A_153 = vector.multi_reduction <maximumf>, %select_n3A_152, %reduce_max3A [1] : vector<1024x2048xf32> to vector<1024xf32>
        %broadcast_in_dim3A_154 = vector.shape_cast %reduce_max3A_153 : vector<1024xf32> to vector<1024x1xf32>
        %max3A_155 = arith.maximumf %while3A_106, %broadcast_in_dim3A_154 : vector<1024x1xf32>
        scf.yield %max3A_155 : vector<1024x1xf32>
      }
      %while3A_86 = arith.constant 1 : i32
      %while3A_87 = scf.for %while3A_105 = %while3A_83 to %while3A_79 step %while3A_86 iter_args(%while3A_106 = %while3A_85) -> (vector<1024x1xf32>)  : i32 {
        %mul3A_107 = arith.constant 2048 : i32
        %mul3A_108 = arith.muli %while3A_105, %mul3A_107 : i32
        %get3A_109 = arith.constant 0 : index
        %get3A_110 = arith.index_cast %mul3A_108 : i32 to index
        %get3A_111 = vector.load %arg5[%get3A_109, %get3A_110] : memref<8x5120xf32, #tpu.memory_space<vmem>>, vector<1x2048xf32>
        %get3A_112 = arith.constant 1 : index
        %get3A_113 = arith.index_cast %mul3A_108 : i32 to index
        %get3A_114 = vector.load %arg5[%get3A_112, %get3A_113] : memref<8x5120xf32, #tpu.memory_space<vmem>>, vector<1x2048xf32>
        %get3A_115 = arith.constant 2 : index
        %get3A_116 = arith.index_cast %mul3A_108 : i32 to index
        %get3A_117 = vector.load %arg5[%get3A_115, %get3A_116] : memref<8x5120xf32, #tpu.memory_space<vmem>>, vector<1x2048xf32>
        %get3A_118 = arith.constant 3 : index
        %get3A_119 = arith.index_cast %mul3A_108 : i32 to index
        %get3A_120 = vector.load %arg5[%get3A_118, %get3A_119] : memref<8x5120xf32, #tpu.memory_space<vmem>>, vector<1x2048xf32>
        %get3A_121 = arith.constant 4 : index
        %get3A_122 = arith.index_cast %mul3A_108 : i32 to index
        %get3A_123 = vector.load %arg5[%get3A_121, %get3A_122] : memref<8x5120xf32, #tpu.memory_space<vmem>>, vector<1x2048xf32>
        %min3A_124 = vector.broadcast %slice3A_8 : vector<1024x1xf32> to vector<1024x2048xf32>
        %min3A_125 = vector.broadcast %get3A_117 : vector<1x2048xf32> to vector<1024x2048xf32>
        %min3A_126 = arith.minimumf %min3A_124, %min3A_125 : vector<1024x2048xf32>
        %max3A = vector.broadcast %slice3A : vector<1024x1xf32> to vector<1024x2048xf32>
        %max3A_127 = vector.broadcast %get3A_111 : vector<1x2048xf32> to vector<1024x2048xf32>
        %max3A_128 = arith.maximumf %max3A, %max3A_127 : vector<1024x2048xf32>
        %sub3A_129 = arith.subf %min3A_126, %max3A_128 : vector<1024x2048xf32>
        %max3A_130 = arith.constant 0.000000e+00 : f32
        %max3A_131 = vector.broadcast %max3A_130 : f32 to vector<1024x2048xf32>
        %max3A_132 = arith.maximumf %sub3A_129, %max3A_131 : vector<1024x2048xf32>
        %min3A_133 = vector.broadcast %slice3A_9 : vector<1024x1xf32> to vector<1024x2048xf32>
        %min3A_134 = vector.broadcast %get3A_120 : vector<1x2048xf32> to vector<1024x2048xf32>
        %min3A_135 = arith.minimumf %min3A_133, %min3A_134 : vector<1024x2048xf32>
        %max3A_136 = vector.broadcast %slice3A_7 : vector<1024x1xf32> to vector<1024x2048xf32>
        %max3A_137 = vector.broadcast %get3A_114 : vector<1x2048xf32> to vector<1024x2048xf32>
        %max3A_138 = arith.maximumf %max3A_136, %max3A_137 : vector<1024x2048xf32>
        %sub3A_139 = arith.subf %min3A_135, %max3A_138 : vector<1024x2048xf32>
        %mul3A_140 = arith.mulf %max3A_132, %sub3A_139 : vector<1024x2048xf32>
        %add3A_141 = vector.broadcast %slice3A_10 : vector<1024x1xf32> to vector<1024x2048xf32>
        %add3A_142 = vector.broadcast %get3A_123 : vector<1x2048xf32> to vector<1024x2048xf32>
        %add3A_143 = arith.addf %add3A_141, %add3A_142 : vector<1024x2048xf32>
        %sub3A_144 = arith.subf %mul3A_140, %add3A_143 : vector<1024x2048xf32>
        %add3A_145 = vector.broadcast %mul3A_108 : i32 to vector<1x2048xi32>
        %add3A_146 = arith.addi %add3A_145, %iota3A_20 : vector<1x2048xi32>
        %lt3A_147 = vector.broadcast %add3A_146 : vector<1x2048xi32> to vector<1024x2048xi32>
        %lt3A_148 = vector.broadcast %min3A_19 : vector<1024x1xi32> to vector<1024x2048xi32>
        %lt3A_149 = arith.cmpi slt, %lt3A_147, %lt3A_148 : vector<1024x2048xi32>
        %jit3A_150 = arith.constant -1.000000e+00 : f32
        %broadcast_in_dim3A_151 = vector.broadcast %jit3A_150 : f32 to vector<1024x2048xf32>
        %select_n3A_152 = arith.select %lt3A_149, %sub3A_144, %broadcast_in_dim3A_151 : vector<1024x2048xi1>, vector<1024x2048xf32>
        %reduce_max3A = arith.constant dense<0xFF800000> : vector<1024xf32>
        %reduce_max3A_153 = vector.multi_reduction <maximumf>, %select_n3A_152, %reduce_max3A [1] : vector<1024x2048xf32> to vector<1024xf32>
        %broadcast_in_dim3A_154 = vector.shape_cast %reduce_max3A_153 : vector<1024xf32> to vector<1024x1xf32>
        %max3A_155 = arith.maximumf %while3A_106, %broadcast_in_dim3A_154 : vector<1024x1xf32>
        scf.yield %max3A_155 : vector<1024x1xf32>
      }
      %gt3A = arith.constant 3.000000e-01 : f32
      %gt3A_88 = vector.broadcast %gt3A : f32 to vector<1024x1xf32>
      %gt3A_89 = arith.cmpf ogt, %slice3A_11, %gt3A_88 : vector<1024x1xf32>
      %le3A = arith.constant 0.000000e+00 : f32
      %le3A_90 = vector.broadcast %le3A : f32 to vector<1024x1xf32>
      %le3A_91 = arith.cmpf ole, %while3A_87, %le3A_90 : vector<1024x1xf32>
      %and3A_92 = arith.andi %gt3A_89, %le3A_91 : vector<1024x1xi1>
      %jit3A_93 = arith.constant 1.000000e+00 : f32
      %jit3A_94 = arith.constant 0.000000e+00 : f32
      %broadcast_in_dim3A_95 = vector.broadcast %jit3A_93 : f32 to vector<1024x1xf32>
      %broadcast_in_dim3A_96 = vector.broadcast %jit3A_94 : f32 to vector<1024x1xf32>
      %select_n3A_97 = arith.select %and3A_92, %broadcast_in_dim3A_95, %broadcast_in_dim3A_96 : vector<1024x1xi1>, vector<1024x1xf32>
      %get3A_98 = arith.constant 0 : index
      %get3A_99 = arith.constant 0 : index
      %get3A_100 = vector.load %arg3[%get3A_98, %get3A_99] : memref<1024x8xf32, #tpu.memory_space<vmem>>, vector<1024x8xf32>
      %mul3A_101 = vector.broadcast %select_n3A_97 : vector<1024x1xf32> to vector<1024x8xf32>
      %mul3A_102 = arith.mulf %get3A_100, %mul3A_101 : vector<1024x8xf32>
      %swap3A = arith.constant 0 : index
      %swap3A_103 = arith.constant 0 : index
      %swap3A_104 = vector.load %arg4[%swap3A, %swap3A_103] : memref<1024x8xf32, #tpu.memory_space<vmem>>, vector<1024x8xf32>
      tpu.vector_store %arg4[%swap3A, %swap3A_103], %mul3A_102 {strides = array<i32>} : memref<1024x8xf32, #tpu.memory_space<vmem>>, vector<1024x8xf32>,
    } else {
    }
    %ge3A = arith.cmpi sge, %mul3A_0, %get3A_1 : i32
    %convert_element_type3A_15 = arith.extui %ge3A : i1 to i32
    %cond3A_16 = arith.constant 0 : i32
    %cond3A_17 = arith.cmpi ne, %convert_element_type3A_15, %cond3A_16 : i32
    scf.if %cond3A_17 {
      %broadcast_in_dim3A = arith.constant 0.000000e+00 : f32
      %broadcast_in_dim3A_18 = vector.broadcast %broadcast_in_dim3A : f32 to vector<1024x8xf32>
      %swap3A = arith.constant 0 : index
      %swap3A_19 = arith.constant 0 : index
      %swap3A_20 = vector.load %arg4[%swap3A, %swap3A_19] : memref<1024x8xf32, #tpu.memory_space<vmem>>, vector<1024x8xf32>
      tpu.vector_store %arg4[%swap3A, %swap3A_19], %broadcast_in_dim3A_18 {strides = array<i32>} : memref<1024x8xf32, #tpu.memory_space<vmem>>, vector<1024x8xf32>,
    } else {
    }
    return
  }
  func.func @transform_0(%arg0: i32) -> i32 {
    %c0_i32 = arith.constant 0 : i32
    %c0_i32_0 = arith.constant 0 : i32
    return %c0_i32 : i32
  }
  func.func @transform_1(%arg0: i32) -> (i32, i32) {
    %c0_i32 = arith.constant 0 : i32
    %c0_i32_0 = arith.constant 0 : i32
    %c0_i32_1 = arith.constant 0 : i32
    return %c0_i32, %c0_i32_0 : i32, i32
  }
  func.func @transform_2(%arg0: i32) -> (i32, i32) {
    %c0_i32 = arith.constant 0 : i32
    %c0_i32_0 = arith.constant 0 : i32
    return %arg0, %c0_i32 : i32, i32
  }
  func.func @transform_3(%arg0: i32) -> (i32, i32) {
    %c0_i32 = arith.constant 0 : i32
    %c0_i32_0 = arith.constant 0 : i32
    return %arg0, %c0_i32 : i32, i32
  }
}

</mosaic_0001>

<sc_bundles>
// kernel: gather_offload_async_start
scs
__scs_entry_jumppad:
0x0: {  	(pc) =	sbr.rel $0x88, $3  }
0x1: {  	(tag) =	ssettag $0x0;
	lr =	simm.s32 $0x1  }
0x2: {  	[smem:$0x3F9F] =	sst lr;
	_ =	strace $0xD0000000  }
0x3: {  	_ = 	snop  }
0x4: {  	_ = 	snop  }
0x5: {  	_ = 	snop  }
0x6: {  	_ = 	snop  }
0x7: {  	_ = 	snop  }
__scs_overlays_trampoline_lowered:
0x8: {  	[smem:$0x3FAE] =	sst s0  }
0x9: {  	[smem:$0x3FAF] =	sst s1  }
0xa: {  	[smem:$0x3FB0] =	sst s2  }
0xb: {  	[smem:$0x3FB1] =	sst s3  }
0xc: {  	[smem:$0x3FB2] =	sst s4  }
0xd: {  	[smem:$0x3FB3] =	sst s5  }
0xe: {  	[smem:$0x3FB4] =	sst s6  }
0xf: {  	[smem:$0x3FB5] =	sst s7  }
0x10: {  	[smem:$0x3FB6] =	sst s8  }
0x11: {  	[smem:$0x3FB7] =	sst s9;
	s0 =	simm.s32 @!p0 $0x0  }
0x12: {  	s1 =	sld [smem:$0x3F9D];
	s0 =	simm.s32 @p0 $0x1  }
0x13: {  	[smem:$0x3FB8] =	sst s0;
	s0 =	simm.s32 @!p1 $0x0  }
0x14: {  	s2 =	sld [smem:$0x3F9C];
	s0 =	simm.s32 @p1 $0x1  }
0x15: {  	[smem:$0x3FB9] =	sst s0;
	s0 =	simm.s32 @!p2 $0x0  }
0x16: {  	s3 =	sld [smem:$0x3FDB];
	s0 =	simm.s32 @p2 $0x1  }
0x17: {  	s4 =	simm.s32 $0x1BF5;
	[smem:$0x3FBB] =	sst s0  }
0x18: {  	s0 =	sld [smem:$0x3F9E];
	_ =	swait.ge [sflag:s4], $0x0  }
0x19: {  	s7 =	sld [smem:$0x3F9F]  }
0x1a: {  	s8 =	sadd.s32 $0xFFFFE003, lr  }
0x1b: {  	s9 =	sadd.s32 $0xFFFFFEF7, lr;
	s5 =	simm.s32 $0xFFFFFFFF;
	p2 =	slt.u32 s8, $0xFFFFF086  }
0x1c: {  	p1 =	slt.u32 s9, $0xF7A;
	s5 =	simm.s32 @!p2 $0x0  }
0x1d: {  	s5 =	simm.s32 @p1 $0x1;
	p0 =	seq.s32 s7, s2  }
0x1e: {  	s7 =	smul.u32 @!p0 $0xF7A, s2;
	p2 =	seq.s32 @!p0 s5, $0x0  }
0x1f: {  	s9 =	smul.u32 $0xF7A, s1;
	s8 =	simm.s32 @!p0 $0x1BF5;
	p2 =	por !p2, p0  }
0x20: {  	[sflag:s8] =	ssyncset.s32 @!p0 $0xFFFFF086;
	s6 =	sadd.s32 @!p0 s3, s7;
	s7 =	simm.s32 @!p0 $0x108  }
0x21: {  	s3 =	sadd.s32 s3, s9;
	s6 =	sadd.s32 @!p0 $0x88, s6;
	s7 =	simm.s32 @p2 $0x1082  }
0x22: {  	[simem:s7], [sflag:s8] =	dma.local @!p0 [hbm:s6], $0xF7A  }
0x23: {  	s9 =	sor.u32 $0xD0000000, s2;
	s6 =	simm.s32 $0x108;
	_ =	swait.ge @!p0 [sflag:s8], $0x0  }
0x24: {  	s3 =	sadd.s32 $0x88, s3;
	s6 =	simm.s32 @!p1 $0x1082;
	[sflag:s4] =	ssyncset.s32 $0xFFFFF086  }
0x25: {  	[simem:s6], [sflag:s4] =	dma.local [hbm:s3], $0xF7A  }
0x26: {  	[smem:$0x3F9F] =	sst s1;
	(tag) =	ssettag s2;
	_ =	strace s9  }
0x27: {  	s1 =	sld [smem:$0x3FAF]  }
0x28: {  	s2 =	sld [smem:$0x3FB0]  }
0x29: {  	s4 =	sld [smem:$0x3FB2]  }
0x2a: {  	p0 =	seq.s32 s5, $0x0;
	s5 =	sld [smem:$0x3FB3]  }
0x2b: {  	s6 =	sld [smem:$0x3FB4]  }
0x2c: {  	s7 =	sld [smem:$0x3FB5]  }
0x2d: {  	s3 =	simm.s32 $0x108;
	s8 =	sld [smem:$0x3FB6]  }
0x2e: {  	s3 =	simm.s32 @!p0 $0x1082;
	s9 =	sld [smem:$0x3FB7]  }
0x2f: {  	lr =	sadd.s32 s0, s3;
	s0 =	sld [smem:$0x3FAE]  }
0x30: {  	s3 =	sld [smem:$0x3FB1]  }
0x31: {  	[smem:$0x3FBA] =	sst s10  }
0x32: {  	s10 =	sld [smem:$0x3FB8];
	_ =	sdelay $0x3  }
0x33: {  	p0 =	seq.s32 s10, $0x1;
	s10 =	sld [smem:$0x3FBA];
	_ =	sdelay $0x3  }
0x34: {  	[smem:$0x3FBA] =	sst s10  }
0x35: {  	s10 =	sld [smem:$0x3FB9];
	_ =	sdelay $0x3  }
0x36: {  	p1 =	seq.s32 s10, $0x1;
	s10 =	sld [smem:$0x3FBA];
	_ =	sdelay $0x3  }
0x37: {  	[smem:$0x3FBA] =	sst s10  }
0x38: {  	s10 =	sld [smem:$0x3FBB]  }
0x39: {  	_ = 	snop;
	(pc) =	sbr.ind lr, $3  }
0x3a: {  	_ = 	snop  }
0x3b: {  	_ = 	snop  }
0x3c: {  	p2 =	seq.s32 s10, $0x1;
	s10 =	sld [smem:$0x3FBA]  }
0x3d: {  	_ =	shalt  }
0x3e: {  	_ =	shalt  }
0x3f: {  	_ =	shalt  }
0x40: {  	_ =	shalt  }
0x41: {  	_ =	shalt  }
0x42: {  	_ =	shalt  }
0x43: {  	_ =	shalt  }
0x44: {  	_ =	shalt  }
0x45: {  	_ =	shalt  }
0x46: {  	_ =	shalt  }
0x47: {  	_ =	shalt  }
0x48: {  	_ =	shalt  }
0x49: {  	_ =	shalt  }
0x4a: {  	_ =	shalt  }
0x4b: {  	_ =	shalt  }
0x4c: {  	_ =	shalt  }
0x4d: {  	_ =	shalt  }
0x4e: {  	_ =	shalt  }
0x4f: {  	_ =	shalt  }
0x50: {  	_ =	shalt  }
0x51: {  	_ =	shalt  }
0x52: {  	_ =	shalt  }
0x53: {  	_ =	shalt  }
0x54: {  	_ =	shalt  }
0x55: {  	_ =	shalt  }
0x56: {  	_ =	shalt  }
0x57: {  	_ =	shalt  }
0x58: {  	_ =	shalt  }
0x59: {  	_ =	shalt  }
0x5a: {  	_ =	shalt  }
0x5b: {  	_ =	shalt  }
0x5c: {  	_ =	shalt  }
0x5d: {  	_ =	shalt  }
0x5e: {  	_ =	shalt  }
0x5f: {  	_ =	shalt  }
0x60: {  	_ =	shalt  }
0x61: {  	_ =	shalt  }
0x62: {  	_ =	shalt  }
0x63: {  	_ =	shalt  }
0x64: {  	_ =	shalt  }
0x65: {  	_ =	shalt  }
0x66: {  	_ =	shalt  }
0x67: {  	_ =	shalt  }
0x68: {  	_ =	shalt  }
0x69: {  	_ =	shalt  }
0x6a: {  	_ =	shalt  }
0x6b: {  	_ =	shalt  }
0x6c: {  	_ =	shalt  }
0x6d: {  	_ =	shalt  }
0x6e: {  	_ =	shalt  }
0x6f: {  	_ =	shalt  }
0x70: {  	_ =	shalt  }
0x71: {  	_ =	shalt  }
0x72: {  	_ =	shalt  }
0x73: {  	_ =	shalt  }
0x74: {  	_ =	shalt  }
0x75: {  	_ =	shalt  }
0x76: {  	_ =	shalt  }
0x77: {  	_ =	shalt  }
0x78: {  	_ =	shalt  }
0x79: {  	_ =	shalt  }
0x7a: {  	_ =	shalt  }
0x7b: {  	_ =	shalt  }
0x7c: {  	_ =	shalt  }
0x7d: {  	_ =	shalt  }
0x7e: {  	_ =	shalt  }
0x7f: {  	_ =	shalt  }
0x80: {  	_ =	shalt  }
0x81: {  	_ =	shalt  }
0x82: {  	_ =	shalt  }
0x83: {  	_ =	shalt  }
0x84: {  	_ =	shalt  }
0x85: {  	_ =	shalt  }
0x86: {  	_ =	shalt  }
0x87: {  	_ =	shalt  }
.Lfunc_end0:
.L_simem_size_0:
called_computation_lowered:
.L_overlay_start_0:
0x88: {  	s0 =	sld [smem:$0x3FD9]  }
0x89: {  	s1 =	sld [smem:$0x3FFE];
	_ =	sdelay $0x3  }
0x8a: {  	s0 =	sadd.s32 s1, s0  }
0x8b: {  	[smem:$0x3FC6] =	sst s0  }
0x8c: {  	_ = 	snop  }
0x8d: {  	s0 =	sld [smem:$0x3FD0];
	(tm) =	ssettm $0x1  }
0x8e: {  	s16 =	sld [smem:$0x3FFB];
	_ =	sdelay $0x3  }
0x8f: {  	_ =	strace s16  }
0x90: {  	s1 =	sld [smem:$0x3FFC];
	_ =	sdelay $0x3  }
0x91: {  	_ =	strace s1  }
0x92: {  	s1 =	sld [smem:$0x3FFD];
	_ =	sdelay $0x3  }
0x93: {  	_ =	strace s1  }
0x94: {  	_ =	strace $0x8FFFFFFF  }
0x95: {  	s17 =	sld [smem:$0x3FDB];
	_ =	sdelay $0x1  }
0x96: {  	s2 =	simm.s32 $_scs_section_size  }
0x97: {  	s3 =	simm.s32 $_size__tile_overlayer_lowered;
	s4 =	simm.s32 $_tile_overlayer_lowered  }
0x98: {  	s20 =	simm.s32 $0x1BFF;
	s19 =	sshll.u32 s4, $0x1;
	s1 =	sadd.s32 s2, s17  }
0x99: {  	s5 =	simm.s32 $0x0;
	s18 =	sshll.u32 s3, $0x1;
	s3 =	sadd.s32 s19, s1  }
0x9a: {  	[timem:s5], [sflag:s20] =	dma.local [hbm:s3], s18  }
0x9b: {  	_ =	swait.ge [sflag:s20], s18  }
0x9c: {  	s2 =	ssub.s32 $0x0, s18;
	[sflag:s20] =	ssyncset.done $0x0  }
0x9d: {  	[sflag:s20] =	ssyncadd.s32 s2;
	_ =	sdelay $0x1  }
0x9e: {  	s21 =	simm.s32 $0x1B8B  }
0x9f: {  	_ =	swait.ge [sflag:s21], $0x1  }
0xa0: {  	[sflag:s21] =	ssyncset.done $0x0  }
0xa1: {  	s23 =	simm.s32 $0x1B8E;
	s22 =	sld [smem:$0x3FFE];
	[sflag:s21] =	ssyncadd.s32 $0xFFFFFFFF  }
0xa2: {  	s24 =	simm.s32 $execute0_lowered;
	[smem:$0x3FD2] =	sst s23  }
0xa3: {  	s3 =	sshll.u32 s24, $0x1;
	_ =	strace $0x80000046;
	[dreg:$0x1] =	wrdreg $0xFFFFFFFF  }
0xa4: {  	s25 =	simm.s32 $_size_execute0_lowered;
	s1 =	sadd.s32 s1, s3;
	[dreg:$0x0] =	wrdreg $0x0  }
0xa5: {  	s3 =	sshll.u32 s25, $0x1;
	[dreg:$0x2] =	wrdreg s1  }
0xa6: {  	[dreg:$0x3] =	wrdreg s3  }
0xa7: {  	[dreg:$0x4] =	wrdreg $0xC0  }
0xa8: {  	_ =	task [dreg:s5], $0x5FFFF  }
0xa9: {  	[dreg:$0x1] =	wrdreg $0xFFFFFFFF  }
0xaa: {  	[dreg:$0x0] =	wrdreg $0x60  }
0xab: {  	[dreg:$0x2] =	wrdreg s22  }
0xac: {  	[dreg:$0x3] =	wrdreg s0  }
0xad: {  	[dreg:$0x4] =	wrdreg $0x9  }
0xae: {  	_ =	task.clear_ibuf [dreg:s5], $0x5FFFF;
	_ =	strace $0x90000046  }
0xaf: {  	s26 =	simm.s32 $0x9;
	_ =	strace $0x80000048  }
0xb0: {  	_ =	swait.ge [sflag:s26], $0x1  }
0xb1: {  	[sflag:s26] =	ssyncadd.s32 $0xFFFFFFFF  }
0xb2: {  	_ =	strace $0x90000048  }
0xb3: {  	_ =	sfence  }
0xb4: {  	s28 =	sld [smem:$0x0];
	_ =	sdelay $0x1  }
0xb5: {  	s29 =	srdreg.scid  }
0xb6: {  	s30 =	sshll.u32 s29, $0xD;
	s31 =	sshrl.u32 s29, $0x2  }
0xb7: {  	s2 =	sand.u32 $0x4000, s30;
	s1 =	sand.u32 $0x1, s29;
	s0 =	sadd.s32 s31, s28  }
0xb8: {  	s1 =	sor.u32 s2, s1;
	s0 =	sshll.u32 s0, $0x11  }
0xb9: {  	s0 =	sor.u32 s0, s1  }
0xba: {  	s0 =	sadd.s32 $0x8F2B, s0  }
0xbb: {  	[sflag:s0] =	ssyncadd.remote.s32 $0x1  }
0xbc: {  	_ =	sfence.sel $0xFFFF  }
0xbd: {  	[dreg:$0x0] =	wrdreg $0xFFFFFFFF;
	(pc) =	sbr.abs _section_cstart, $3  }
0xbe: {  	[dreg:$0x1] =	wrdreg $0xFFFFFFFF  }
0xbf: {  	_ =	task.clear_ibuf [dreg:s5], $0x2FFFF;
	_ =	strace $0x9FFFFFFF  }
0xc0: {  	(tm) =	ssettm $0x7FFFFFFF  }
0xc1: {  	_ =	shalt  }
tec
execute0_lowered:
.L_overlay_start_1:
0x0: {  	(tag) =	ssettag $0x1  }
0x1: {  	s0 =	stileid.u32  }
0x2: {  	s1 =	smin.u32 s0, $0x9  }
0x3: {  	s1 =	sadd.s32 s0, s1  }
0x4: {  	s2 =	simm.s32 $0x190;
	p0 =	slt.u32 s0, $0x9;
	s1 =	smul.u32 $0xC8, s1  }
0x5: {  	s2 =	simm.s32 @!p0 $0xC8  }
0x6: {  	s2 =	sadd.s32 s2, s1  }
0x7: {  	s3 =	smin.u32 s2, $0x1388  }
0x8: {  	s7 =	ssub.s32 s3, s1  }
0x9: {  	p0 =	sgt.s32 s7, $0x0  }
0xa: {  	s7 =	simm.s32 @!p0 $0x0  }
0xb: {  	s31 =	sand.u32 $0xFFF8, s7  }
0xc: {  	s2 =	sshrl.u32 s31, $0x3  }
0xd: {  	s9 =	rddreg [dreg:$0x0];
	s2 =	smul.u32 $0x147B, s2  }
0xe: {  	s4 =	rddreg [dreg:$0x1];
	s6 =	simm.s32 $0x1  }
0xf: {  	s11 =	simm.s32 $0x3;
	s13 =	simm.s32 $0x0;
	s8 =	sshrl.u32 s2, $0x11  }
0x10: {  	s12 =	simm.s32 $0x0;
	s5 =	sadd.s32 $0x200, s9;
	s10 =	smul.u32 $0xC8, s8  }
.Ltmp0:
0x11: {  	s9 =	sadd.s32 $0x13C00, s9;
	s2 =	rddreg [dreg:$0x2];
	(pc) =	sbr.rel .LBB2_1-.Ltmp0, $4  }
0x12: {  	_ =	strace $0x80000047;
	p0 =	sne.s32 s7, s10;
	s10 =	simm.s32 $0x1  }
0x13: {  	[sflag:s6] =	ssyncpa.u1 $0x0;
	s7 =	simm.s32 $0x2;
	s10 =	simm.s32 @!p0 $0x0  }
0x14: {  	[sflag:s7] =	ssyncpa.u1 $0x0;
	p0 =	por $0x0, $0x0;
	s8 =	sadd.s32 s8, s10  }
0x15: {  	vm0 =	vmmov $0xff;
	vm1 =	vcmask $0x3F20;
	[sflag:s11] =	ssyncpa.u1 $0x0;
	s11 =	smov.u32 s1;
	s10 =	sadd.s32 $0x1, s8  }
.LBB2_6:
0x16: {  	[hbm:s17] =	stream.linear.scatter [tilespmem:s14], [sflag:$0x3], $0x400, $0x38;
	[tilespmem:$0xC990] =	vst v63  }
.LBB2_7:
0x17: {  	s13 =	sadd.s32 $0xC8, s11  }
0x18: {  	s15 =	smov.u32 s1;
	p2 =	slt.s32 s13, s3  }
0x19: {  	s15 =	smov.u32 @p2 s13;
	p2 =	sne.s32 s12, s10  }
.Ltmp1:
0x1a: {  	p1 =	slt.u32 s12, $0x2;
	(pc) =	sbr.rel @!p2 .LBB2_8-.Ltmp1, $4  }
0x1b: {  	s14 =	simm.s32 @!p1 $0x3  }
0x1c: {  	s16 =	sadd.s32 $0x1, s12;
	_ =	swait.ge @!p1 [sflag:s14], $0x6400  }
0x1d: {  	p0 =	por !p0, !p0;
	s13 =	smov.u32 s11;
	[sflag:s14] =	ssyncset.done @!p1 $0x0  }
0x1e: {  	s12 =	smov.u32 s16;
	s11 =	smov.u32 s15;
	[sflag:s14] =	ssyncadd.s32 @!p1 $0xFFFF9C00  }
.LBB2_1:
0x1f: {  	p1 =	sge.u32 s12, s8  }
0x20: {  	s14 =	sxor.u32 @!p1 $0xFFFFFFFF, s12  }
0x21: {  	s14 =	sand.u32 @!p1 $0x1, s14  }
0x22: {  	s14 =	smul.u32 @!p1 $0x320, s14  }
0x23: {  	s31 =	sadd.s32 $0xFFFFFFFF, s12;
	s15 =	sshrl.u32 @!p1 s11, $0x3  }
0x24: {  	s16 =	sand.u32 @!p1 $0x7, s11;
	s15 =	sadd.s32 @!p1 s4, s15;
	s14 =	sshrl.u32 @!p1 s14, $0x2  }
0x25: {  	[tilespmem:s14], [sflag:$0x2] =	stream.linear.gather @!p1 [hbm4b:s15+s16], $0xC8, $0x38;
	[tilespmem:$0xC990] =	vst v63  }
0x26: {  	p1 =	sge.u32 s31, s8  }
.Ltmp2:
0x27: {  	_ = 	snop;
	(pc) =	sbr.rel @p1 .LBB2_7-.Ltmp2, $1  }
0x28: {  	_ =	sdelay $0x3  }
0x29: {  	s14 =	simm.s32 $0x1  }
0x2a: {  	s14 =	simm.s32 @!p0 $0x0  }
0x2b: {  	s15 =	smul.u32 $0x320, s14  }
0x2c: {  	_ =	swait.ge [sflag:s7], $0xC8  }
0x2d: {  	[sflag:s7] =	ssyncset.done $0x0;
	s16 =	sshrl.u32 s15, $0x2  }
0x2e: {  	[sflag:s7] =	ssyncadd.s32 $0xFFFFFF38;
	s15 =	sadd.s32 $0x0, s16  }
0x2f: {  	v0 =	vld.msk [tilespmem:s15+$0x0 ss:$0x1], $0xffff;
	_ =	sdelay $0x4  }
0x30: {  	vm2 =	vgt.s32 v0, $0x0  }
0x31: {  	v0 =	vnsel vm2, $0x0, v0  }
0x32: {  	v0 =	vmin.u32 v0, $0x1387  }
0x33: {  	v0 =	vshll.u32 v0, $0x4  }
0x34: {  	s14 =	smul.u32 $0x19000, s14  }
0x35: {  	s31 =	sand.u32 $0x1, s12  }
0x36: {  	s17 =	smul.u32 $0x320, s31;
	s14 =	sshrl.u32 s14, $0x2  }
0x37: {  	s19 =	smul.u32 $0x19000, s31;
	s14 =	sor.u32 $0x190, s14  }
0x38: {  	[tilespmem:s14], [sflag:$0x1] =	stream.indirect_vreg.gather [hbm:s5], $0x80, v0, vm0, $0x38;
	[tilespmem:$0xC990] =	vst v63  }
0x39: {  	s18 =	sshrl.u32 s17, $0x2;
	s20 =	sadd.s32 $0x10, s16;
	s15 =	sadd.s32 $0x400, s14  }
0x3a: {  	[tilespmem:s15], [sflag:$0x1] =	stream.indirect_vreg.gather [hbm:s5], $0x80, v0, vm1, $0x38;
	[tilespmem:$0xC990] =	vst v63  }
0x3b: {  	s17 =	sshrl.u32 s19, $0x2;
	s19 =	smov.u32 s14;
	v0 =	vld.msk [tilespmem:s20+$0x0 ss:$0x1], $0xffff;
	s20 =	simm.s32 $0x80  }
.LBB2_3:
0x3c: {  	p1 =	sne.s32 s20, $0x2C0;
	_ =	sdelay $0x4  }
0x3d: {  	vm2 =	vgt.s32 v0, $0x0  }
0x3e: {  	v0 =	vnsel vm2, $0x0, v0  }
0x3f: {  	v0 =	vmin.u32 v0, $0x1387  }
0x40: {  	v0 =	vshll.u32 v0, $0x4;
	_ =	sdelay $0x3  }
.Ltmp3:
0x41: {  	s21 =	sshra.s32 s20, $0x2;
	s19 =	sadd.s32 $0x800, s19;
	(pc) =	sbr.rel @p1 .LBB2_3-.Ltmp3, $4  }
0x42: {  	[tilespmem:s19], [sflag:$0x1] =	stream.indirect_vreg.gather [hbm:s5], $0x80, v0, vm0, $0x38;
	[tilespmem:$0xC990] =	vst v63  }
0x43: {  	s21 =	sadd.s32 s21, s16;
	s22 =	sadd.s32 $0x400, s19  }
0x44: {  	[tilespmem:s22], [sflag:$0x1] =	stream.indirect_vreg.gather [hbm:s5], $0x80, v0, vm1, $0x38;
	[tilespmem:$0xC990] =	vst v63  }
0x45: {  	s20 =	sadd.s32 $0x40, s20;
	v0 =	vld.msk [tilespmem:s21+$0x0 ss:$0x1], $0xffff  }
0x46: {  	_ =	sdelay $0x3  }
0x47: {  	vm2 =	vgt.s32 v0, $0x0  }
0x48: {  	v0 =	vnsel vm2, $0x0, v0  }
0x49: {  	v0 =	vmin.u32 v0, $0x1387  }
0x4a: {  	v0 =	vshll.u32 v0, $0x4;
	_ =	sdelay $0x3  }
0x4b: {  	s16 =	sadd.s32 $0x800, s19  }
0x4c: {  	[tilespmem:s16], [sflag:$0x1] =	stream.indirect_vreg.gather [hbm:s5], $0x80, v0, vm0, $0x38;
	[tilespmem:$0xC990] =	vst v63  }
0x4d: {  	s16 =	sadd.s32 $0x400, s16  }
0x4e: {  	[tilespmem:s16], [sflag:$0x1] =	stream.indirect_vreg.gather [hbm:s5], $0x80, v0, vm1, $0x38;
	[tilespmem:$0xC990] =	vst v63  }
0x4f: {  	v0 =	vld.msk [tilespmem:s18+$0xC0 ss:$0x1], $0xff;
	_ =	sdelay $0x4  }
0x50: {  	vm2 =	vgt.s32 v0, $0x0  }
0x51: {  	v0 =	vnsel vm2, $0x0, v0  }
0x52: {  	v0 =	vmin.u32 v0, $0x1387  }
0x53: {  	v0 =	vshll.u32 v0, $0x4;
	_ =	sdelay $0x3  }
0x54: {  	s31 =	sadd.s32 $0x6190, s17  }
0x55: {  	[tilespmem:s31], [sflag:$0x1] =	stream.indirect_vreg.gather [hbm:s5], $0x80, v0, vm0, $0x38;
	[tilespmem:$0xC990] =	vst v63  }
0x56: {  	s13 =	sshll.u32 s13, $0x4;
	_ =	swait.ge [sflag:s6], $0x6400  }
0x57: {  	s13 =	sadd.s32 s13, s9;
	[sflag:s6] =	ssyncset.done $0x0  }
0x58: {  	s17 =	sadd.s32 $0x0, s13;
	s16 =	simm.s32 $0x80;
	[sflag:s6] =	ssyncadd.s32 $0xFFFF9C00  }
.LBB2_5:
0x59: {  	[hbm:s17] =	stream.linear.scatter [tilespmem:s14], [sflag:$0x3], $0x400, $0x38;
	[tilespmem:$0xC990] =	vst v63  }
0x5a: {  	s17 =	smov.u32 s16;
	s14 =	smov.u32 s15;
	p1 =	sne.s32 s16, $0xC00  }
.Ltmp4:
0x5b: {  	s16 =	sadd.s32 $0x80, s16;
	(pc) =	sbr.rel @p1 .LBB2_5-.Ltmp4, $2  }
0x5c: {  	_ =	sdelay $0x2  }
0x5d: {  	s15 =	sadd.s32 $0x400, s15;
	s17 =	sadd.s32 s17, s13  }
.Ltmp5:
0x5e: {  	_ = 	snop;
	(pc) =	sbr.rel .LBB2_6-.Ltmp5, $1  }
0x5f: {  	_ =	sdelay $0x3  }
.LBB2_8:
0x60: {  	_ =	sfence.sel $0x180000  }
0x61: {  	s1 =	simm.s32 $0x2;
	[bflag:$0x0] =	sbarrier.arrive $0xFFFF  }
0x62: {  	s30 =	simm.s32 $0x3;
	[sflag:s1] =	ssyncpa.u1 $0x1  }
0x63: {  	s31 =	simm.s32 $0x1;
	[sflag:s30] =	ssyncpa.u1 $0x1  }
0x64: {  	[sflag:s31] =	ssyncpa.u1 $0x1  }
0x65: {  	p0 =	sne.s32 s0, $0x0;
	_ =	strace $0x90000047  }
0x66: {  	s0 =	sadd.s32 @!p0 $0x100000, s2;
	[bflag:$0x2] =	sbarrier.arrive $0xFFFF  }
0x67: {  	[sflag:s0] =	ssyncadd.tile.s32 @!p0 $0x1;
	_ =	shalt  }
.Lfunc_end2:
_tile_overlayer_lowered:
.L_overlay_start_2:
0x68: {  	(tag) =	ssettag $0x2  }
0x69: {  	s0 =	rddreg [dreg:$0x0];
	s2 =	stileid.u32  }
0x6a: {  	s1 =	rddreg [dreg:$0x1];
	p0 =	sne.s32 s2, $0x0  }
0x6b: {  	s3 =	rddreg [dreg:$0x2];
	[bflag:$0x3] =	sbarrier.arrive $0xFFFF;
	s2 =	simm.s32 @!p0 $0x1C01  }
0x6c: {  	[timem:s3], [sflag:s2] =	dma.local @!p0 [hbm:s0], s1  }
0x6d: {  	s0 =	simm.s32 @!p0 $0x1  }
0x6e: {  	_ =	swait.ge @!p0 [sflag:s0], s1  }
0x6f: {  	s1 =	ssub.s32 @!p0 $0x0, s1;
	[sflag:s0] =	ssyncset.done @!p0 $0x0  }
0x70: {  	[sflag:s0] =	ssyncadd.s32 @!p0 s1  }
0x71: {  	[bflag:$0x3] =	sbarrier.arrive $0xFFFF  }
0x72: {  	_ =	shalt  }

</sc_bundles>
